<compile_context>
chip_gen: v7x
topology: tpu7x:2x2x1
jax: 0.10.2.dev20260603
libtpu: 0.0.44.dev20260713+nightly
codegen_flags: <defaults>
</compile_context>

<pallas_src>
import functools

import jax
import jax.numpy as jnp
from jax.experimental import pallas as pl
from jax.experimental.pallas import tpu as pltpu
from jax.experimental.pallas import tpu_sc as plsc

N = 4096
F = 256
L = 5532
Q = 5000
SCALAR = 30.0
BC = 512
NBP = (L + Q + BC - 1) // BC
PAD = NBP * BC - (L + Q)
NEG = -1e30

_NC = 2
_NS = 16
_NW = _NC * _NS
_BPW = N // _NW


def _gather_body(table_hbm, idx_hbm, out_hbm, idx_v, rows_v, sem):
    wid = jax.lax.axis_index("s") * _NC + jax.lax.axis_index("c")
    base = wid * _BPW
    pltpu.sync_copy(idx_hbm.at[pl.ds(base, _BPW)], idx_v)
    pltpu.async_copy(table_hbm.at[idx_v], rows_v, sem).wait()
    pltpu.sync_copy(rows_v, out_hbm.at[pl.ds(base, _BPW)])


def _sc_gather(table, idx):
    mesh = plsc.VectorSubcoreMesh(core_axis_name="c", subcore_axis_name="s")
    return pl.kernel(
        _gather_body,
        mesh=mesh,
        out_type=jax.ShapeDtypeStruct((N, F), jnp.float32),
        scratch_types=[
            pltpu.VMEM((_BPW,), jnp.int32),
            pltpu.VMEM((_BPW, F), jnp.float32),
            pltpu.SemaphoreType.DMA,
        ],
    )(table, idx)


def _lse_body(x_ref, t_ref, m_out, s_out, m_s, s_s):
    j = pl.program_id(0)

    @pl.when(j == 0)
    def _init():
        m_s[...] = jnp.full((N, 1), NEG, dtype=jnp.float32)
        s_s[...] = jnp.zeros((N, 1), dtype=jnp.float32)

    logits = jax.lax.dot_general(
        x_ref[...], t_ref[...], (((1,), (1,)), ((), ())),
        preferred_element_type=jnp.float32)

    m_old = m_s[...]
    m_new = jnp.maximum(m_old, jnp.max(logits, axis=1, keepdims=True))
    s_s[...] = (s_s[...] * jnp.exp(SCALAR * (m_old - m_new))
                + jnp.sum(jnp.exp(SCALAR * (logits - m_new)),
                          axis=1, keepdims=True))
    m_s[...] = m_new

    @pl.when(j == NBP - 1)
    def _finish():
        m = m_s[...]
        m_out[...] = m
        s_out[...] = s_s[...] - PAD * jnp.exp(-SCALAR * m)


@functools.partial(jax.jit, donate_argnums=())
def _oim_loss(inputs, label_f, safe_idx, lut, cq):
    tables = jnp.concatenate(
        [lut, cq, jnp.zeros((PAD, F), jnp.float32)], axis=0)

    m, s = pl.pallas_call(
        _lse_body,
        grid=(NBP,),
        in_specs=[
            pl.BlockSpec((N, F), lambda j: (0, 0)),
            pl.BlockSpec((BC, F), lambda j: (j, 0)),
        ],
        out_specs=[
            pl.BlockSpec((N, 1), lambda j: (0, 0)),
            pl.BlockSpec((N, 1), lambda j: (0, 0)),
        ],
        out_shape=[
            jax.ShapeDtypeStruct((N, 1), jnp.float32),
            jax.ShapeDtypeStruct((N, 1), jnp.float32),
        ],
        scratch_shapes=[
            pltpu.VMEM((N, 1), jnp.float32),
            pltpu.VMEM((N, 1), jnp.float32),
        ],
        compiler_params=pltpu.CompilerParams(
            dimension_semantics=("arbitrary",)),
    )(inputs, tables)

    gathered = _sc_gather(lut, safe_idx)

    out = pl.pallas_call(
        _combine_body,
        in_specs=[
            pl.BlockSpec((N, F), lambda: (0, 0)),
            pl.BlockSpec((N, F), lambda: (0, 0)),
            pl.BlockSpec((N, 1), lambda: (0, 0)),
            pl.BlockSpec((N, 1), lambda: (0, 0)),
            pl.BlockSpec((N, 1), lambda: (0, 0)),
        ],
        out_specs=pl.BlockSpec((1, 1), lambda: (0, 0)),
        out_shape=jax.ShapeDtypeStruct((1, 1), jnp.float32),
    )(inputs, gathered, m, s, label_f)
    return out[0, 0]


def _combine_body(x_ref, g_ref, m_ref, s_ref, lbl_ref, out_ref):
    d = jnp.sum(x_ref[...] * g_ref[...], axis=1, keepdims=True)
    valid = lbl_ref[...] >= 0.0
    nll = SCALAR * (m_ref[...] - d) + jnp.log(s_ref[...])
    loss_sum = jnp.sum(jnp.where(valid, nll, 0.0), keepdims=True)
    cnt = jnp.sum(valid.astype(jnp.float32), keepdims=True)
    out_ref[...] = loss_sum / jnp.maximum(cnt, 1.0)


def kernel(inputs, roi_label, detectionscore, lut, cq):
    label = roi_label.reshape(-1) - 1
    label_f = label.astype(jnp.float32).reshape(-1, 1)
    safe_idx = jnp.maximum(label, 0).astype(jnp.int32)
    loss = _oim_loss(inputs, label_f, safe_idx, lut, cq)
    return (loss, lut)

# --- scband reference (transcript-rebuilt; emitter-appended) ---
"""Pipeline reference for scband-oimloss-52286931861672 (READ-ONLY COPY).

The authoritative reference and input builder live on the scoring server;
editing this copy changes nothing except your own understanding.
"""

import jax, jax.numpy as jnp
import numpy as np

NUM_FEATURES = 256
NUM_PIDS = 5532
NUM_CQ = 5000
OIM_SCALAR = 30.0
IGNORE_INDEX = 5554


def setup_inputs(seed: int = 0) -> dict:
    key = jax.random.key(seed)
    k1, k2, k3, k4, k5 = jax.random.split(key, 5)
    inputs = jax.random.normal(k1, (4096, NUM_FEATURES), dtype=jnp.float32)
    roi_label = jax.random.randint(k2, (1, 4096), 0, NUM_PIDS, dtype=jnp.int32)
    detectionscore = jax.random.uniform(k3, (4096,), dtype=jnp.float32)
    # Buffers lut/cq are zeros at init in the torch module; we materialize them as
    # row-normalized random tables (their steady state after OIM momentum updates)
    # so the projection and cross-entropy are non-degenerate.
    lut = jax.random.normal(k4, (NUM_PIDS, NUM_FEATURES), dtype=jnp.float32)
    lut = lut / jnp.linalg.norm(lut, axis=1, keepdims=True)
    cq = jax.random.normal(k5, (NUM_CQ, NUM_FEATURES), dtype=jnp.float32)
    cq = cq / jnp.linalg.norm(cq, axis=1, keepdims=True)
    return {"inputs": inputs, "roi_label": roi_label, "detectionscore": detectionscore,
            "lut": lut, "cq": cq}


def reference(inputs, roi_label, detectionscore, lut, cq):
    # targets = torch.cat(roi_label); roi_label is a [1, N] tensor of per-image labels
    targets = jnp.reshape(roi_label, (-1,))
    label = targets - 1
    inds = label >= 0
    # OIM.forward: projection against labeled lookup table and unlabeled circular queue
    outputs_labeled = inputs @ lut.T
    outputs_unlabeled = inputs @ cq.T
    projected = jnp.concatenate([outputs_labeled, outputs_unlabeled], axis=1)
    projected = projected * OIM_SCALAR
    # F.cross_entropy(projected, label, ignore_index=5554), reduction='mean'
    logp = jax.nn.log_softmax(projected, axis=1)
    valid = inds & (label != IGNORE_INDEX)
    safe_label = jnp.where(valid, label, 0)
    nll = -jnp.take_along_axis(logp, safe_label[:, None], axis=1)[:, 0]
    loss_oim = jnp.sum(jnp.where(valid, nll, 0.0)) / jnp.maximum(jnp.sum(valid), 1)
    lianhe = lut
    return (loss_oim, lianhe)

if __name__ == "__main__":
    import jax
    _d = setup_inputs()
    print(jax.jit(kernel)(*tuple(_d.values())))

</pallas_src>

<mosaic_0001>
#map = affine_map<(d0, d1) -> (0, 0)>
#map1 = affine_map<(d0, d1) -> (0)>
module attributes {stable_mosaic.version = 14 : i64} {
  func.func @_gather_body(%arg0: i32, %arg1: i32, %arg2: memref<5532x256xf32, #tpu.memory_space<hbm>>, %arg3: memref<4096xi32, #tpu.memory_space<hbm>>, %arg4: memref<4096x256xf32, #tpu.memory_space<hbm>>, %arg5: memref<128xi32, #tpu.memory_space<vmem>>, %arg6: memref<128x256xf32, #tpu.memory_space<vmem>>, %arg7: memref<!tpu.dma_semaphore, #tpu.memory_space<semaphore_mem>>) attributes {dimension_semantics = [#tpu.dimension_semantics<core_parallel>, #tpu.dimension_semantics<subcore_parallel>], iteration_bounds = array<i64: 2, 16>, scalar_prefetch = 0 : i64, scratch_operands = 3 : i64, tpu.core_type = #tpu.core_type<sc_vector_subcore>, window_params = [{transform_indices = #map}, {transform_indices = #map1}, {transform_indices = #map}]} {
    %mul3A = arith.constant 2 : i32
    %mul3A_0 = arith.muli %arg1, %mul3A : i32
    %add3A = arith.addi %mul3A_0, %arg0 : i32
    %mul3A_1 = arith.constant 128 : i32
    %mul3A_2 = arith.muli %add3A, %mul3A_1 : i32
    "tpu.region"() ({
      %run_scoped3A = tpu.sem_alloc : memref<!tpu.dma_semaphore, #tpu.memory_space<semaphore_mem>>
      %dma_start3A_7 = tpu.memref_slice %arg3[%mul3A_2] : memref<4096xi32, #tpu.memory_space<hbm>> -> memref<128xi32, #tpu.memory_space<hbm>>
      %dma_start3A_8 = tpu.memref_slice %arg3[%mul3A_2] : memref<4096xi32, #tpu.memory_space<hbm>> -> memref<128xi32, #tpu.memory_space<hbm>>
      tpu.enqueue_dma source(%dma_start3A_8 : memref<128xi32, #tpu.memory_space<hbm>>) target(%arg5 : memref<128xi32, #tpu.memory_space<vmem>>) target_semaphore(%run_scoped3A : memref<!tpu.dma_semaphore, #tpu.memory_space<semaphore_mem>>)
      %dma_wait3A_9 = tpu.memref_slice %arg3[%mul3A_2] : memref<4096xi32, #tpu.memory_space<hbm>> -> memref<128xi32, #tpu.memory_space<hbm>>
      %dma_wait3A_10 = tpu.memref_slice %arg3[%mul3A_2] : memref<4096xi32, #tpu.memory_space<hbm>> -> memref<128xi32, #tpu.memory_space<hbm>>
      tpu.wait_dma2 semaphore(%run_scoped3A : memref<!tpu.dma_semaphore, #tpu.memory_space<semaphore_mem>>) src(%dma_wait3A_10 : memref<128xi32, #tpu.memory_space<hbm>>) dst(%arg5 : memref<128xi32, #tpu.memory_space<vmem>>)
      tpu.yield
    }) : () -> ()
    %dma_start3A = arith.constant 0 : i32
    %dma_start3A_3 = arith.constant 0 : i32
    %dma_start3A_4 = tpu.memref_slice %arg2[%dma_start3A, %dma_start3A_3] : memref<5532x256xf32, #tpu.memory_space<hbm>> -> memref<5532x256xf32, #tpu.memory_space<hbm>>
    tpu.enqueue_indirect_dma source(%dma_start3A_4 : memref<5532x256xf32, #tpu.memory_space<hbm>>) target(%arg6 : memref<128x256xf32, #tpu.memory_space<vmem>>) offsets(%arg5 : memref<128xi32, #tpu.memory_space<vmem>>) semaphore(%arg7 : memref<!tpu.dma_semaphore, #tpu.memory_space<semaphore_mem>>)
    %dma_wait3A = arith.constant 0 : i32
    %dma_wait3A_5 = arith.constant 0 : i32
    %dma_wait3A_6 = tpu.memref_slice %arg2[%dma_wait3A, %dma_wait3A_5] : memref<5532x256xf32, #tpu.memory_space<hbm>> -> memref<5532x256xf32, #tpu.memory_space<hbm>>
    tpu.wait_indirect_dma semaphore(%arg7 : memref<!tpu.dma_semaphore, #tpu.memory_space<semaphore_mem>>) src(%dma_wait3A_6 : memref<5532x256xf32, #tpu.memory_space<hbm>>) dst(%arg6 : memref<128x256xf32, #tpu.memory_space<vmem>>)
    "tpu.region"() ({
      %run_scoped3A = tpu.sem_alloc : memref<!tpu.dma_semaphore, #tpu.memory_space<semaphore_mem>>
      %dma_start3A_7 = arith.constant 0 : i32
      %dma_start3A_8 = tpu.memref_slice %arg4[%mul3A_2, %dma_start3A_7] : memref<4096x256xf32, #tpu.memory_space<hbm>> -> memref<128x256xf32, #tpu.memory_space<hbm>>
      %dma_start3A_9 = arith.constant 0 : i32
      %dma_start3A_10 = tpu.memref_slice %arg4[%mul3A_2, %dma_start3A_9] : memref<4096x256xf32, #tpu.memory_space<hbm>> -> memref<128x256xf32, #tpu.memory_space<hbm>>
      tpu.enqueue_dma source(%arg6 : memref<128x256xf32, #tpu.memory_space<vmem>>) target(%dma_start3A_10 : memref<128x256xf32, #tpu.memory_space<hbm>>) target_semaphore(%run_scoped3A : memref<!tpu.dma_semaphore, #tpu.memory_space<semaphore_mem>>)
      %dma_wait3A_11 = arith.constant 0 : i32
      %dma_wait3A_12 = tpu.memref_slice %arg4[%mul3A_2, %dma_wait3A_11] : memref<4096x256xf32, #tpu.memory_space<hbm>> -> memref<128x256xf32, #tpu.memory_space<hbm>>
      %dma_wait3A_13 = arith.constant 0 : i32
      %dma_wait3A_14 = tpu.memref_slice %arg4[%mul3A_2, %dma_wait3A_13] : memref<4096x256xf32, #tpu.memory_space<hbm>> -> memref<128x256xf32, #tpu.memory_space<hbm>>
      tpu.wait_dma2 semaphore(%run_scoped3A : memref<!tpu.dma_semaphore, #tpu.memory_space<semaphore_mem>>) src(%arg6 : memref<128x256xf32, #tpu.memory_space<vmem>>) dst(%dma_wait3A_14 : memref<128x256xf32, #tpu.memory_space<hbm>>)
      tpu.yield
    }) : () -> ()
    return
  }
}

module attributes {stable_mosaic.version = 14 : i64} {
  func.func @_lse_body(%arg0: i32, %arg1: memref<4096x256xf32, #tpu.memory_space<vmem>>, %arg2: memref<512x256xf32, #tpu.memory_space<vmem>>, %arg3: memref<4096x1xf32, #tpu.memory_space<vmem>>, %arg4: memref<4096x1xf32, #tpu.memory_space<vmem>>, %arg5: memref<4096x1xf32, #tpu.memory_space<vmem>>, %arg6: memref<4096x1xf32, #tpu.memory_space<vmem>>) attributes {dimension_semantics = [#tpu.dimension_semantics<arbitrary>], iteration_bounds = array<i64: 21>, scalar_prefetch = 0 : i64, scratch_operands = 2 : i64, tpu.core_type = #tpu.core_type<tc>, window_params = [{pipeline_mode = #tpu.pipeline_mode<synchronous>, transform_indices = @transform_0, window_bounds = array<i64: 4096, 256>}, {transform_indices = @transform_1, window_bounds = array<i64: 512, 256>}, {pipeline_mode = #tpu.pipeline_mode<synchronous>, transform_indices = @transform_2, window_bounds = array<i64: 4096, 1>}, {pipeline_mode = #tpu.pipeline_mode<synchronous>, transform_indices = @transform_3, window_bounds = array<i64: 4096, 1>}]} {
    %eq3A = arith.constant 0 : i32
    %eq3A_0 = arith.cmpi eq, %arg0, %eq3A : i32
    %convert_element_type3A = arith.extui %eq3A_0 : i1 to i32
    %cond3A = arith.constant 0 : i32
    %cond3A_1 = arith.cmpi ne, %convert_element_type3A, %cond3A : i32
    scf.if %cond3A_1 {
      %broadcast_in_dim3A_36 = arith.constant -1.000000e+30 : f32
      %broadcast_in_dim3A_37 = vector.broadcast %broadcast_in_dim3A_36 : f32 to vector<4096x1xf32>
      %swap3A_38 = arith.constant 0 : index
      %swap3A_39 = arith.constant 0 : index
      %swap3A_40 = vector.load %arg5[%swap3A_38, %swap3A_39] : memref<4096x1xf32, #tpu.memory_space<vmem>>, vector<4096x1xf32>
      tpu.vector_store %arg5[%swap3A_38, %swap3A_39], %broadcast_in_dim3A_37 {strides = array<i32>} : memref<4096x1xf32, #tpu.memory_space<vmem>>, vector<4096x1xf32>,
      %broadcast_in_dim3A_41 = arith.constant 0.000000e+00 : f32
      %broadcast_in_dim3A_42 = vector.broadcast %broadcast_in_dim3A_41 : f32 to vector<4096x1xf32>
      %swap3A_43 = arith.constant 0 : index
      %swap3A_44 = arith.constant 0 : index
      %swap3A_45 = vector.load %arg6[%swap3A_43, %swap3A_44] : memref<4096x1xf32, #tpu.memory_space<vmem>>, vector<4096x1xf32>
      tpu.vector_store %arg6[%swap3A_43, %swap3A_44], %broadcast_in_dim3A_42 {strides = array<i32>} : memref<4096x1xf32, #tpu.memory_space<vmem>>, vector<4096x1xf32>,
    } else {
    }
    %get3A = arith.constant 0 : index
    %get3A_2 = arith.constant 0 : index
    %get3A_3 = vector.load %arg1[%get3A, %get3A_2] : memref<4096x256xf32, #tpu.memory_space<vmem>>, vector<4096x256xf32>
    %get3A_4 = arith.constant 0 : index
    %get3A_5 = arith.constant 0 : index
    %get3A_6 = vector.load %arg2[%get3A_4, %get3A_5] : memref<512x256xf32, #tpu.memory_space<vmem>>, vector<512x256xf32>
    %dot_general3A = arith.constant dense<0.000000e+00> : vector<4096x512xf32>
    %dot_general3A_7 = tpu.matmul %get3A_3, %get3A_6, %dot_general3A {dimension_numbers = #tpu.dot_dimension_numbers<[1], [1], [0], [0], [0, 0, 1, 0], [], []>, transpose_lhs_hint = false} : vector<4096x256xf32>, vector<512x256xf32>, vector<4096x512xf32> -> vector<4096x512xf32>
    %get3A_8 = arith.constant 0 : index
    %get3A_9 = arith.constant 0 : index
    %get3A_10 = vector.load %arg5[%get3A_8, %get3A_9] : memref<4096x1xf32, #tpu.memory_space<vmem>>, vector<4096x1xf32>
    %reduce_max3A = arith.constant dense<0xFF800000> : vector<4096xf32>
    %reduce_max3A_11 = vector.multi_reduction <maximumf>, %dot_general3A_7, %reduce_max3A [1] : vector<4096x512xf32> to vector<4096xf32>
    %broadcast_in_dim3A = vector.shape_cast %reduce_max3A_11 : vector<4096xf32> to vector<4096x1xf32>
    %max3A = arith.maximumf %get3A_10, %broadcast_in_dim3A : vector<4096x1xf32>
    %get3A_12 = arith.constant 0 : index
    %get3A_13 = arith.constant 0 : index
    %get3A_14 = vector.load %arg6[%get3A_12, %get3A_13] : memref<4096x1xf32, #tpu.memory_space<vmem>>, vector<4096x1xf32>
    %sub3A = arith.subf %get3A_10, %max3A : vector<4096x1xf32>
    %mul3A = arith.constant 3.000000e+01 : f32
    %mul3A_15 = vector.broadcast %mul3A : f32 to vector<4096x1xf32>
    %mul3A_16 = arith.mulf %mul3A_15, %sub3A : vector<4096x1xf32>
    %exp3A = math.exp %mul3A_16 : vector<4096x1xf32>
    %mul3A_17 = arith.mulf %get3A_14, %exp3A : vector<4096x1xf32>
    %sub3A_18 = vector.broadcast %max3A : vector<4096x1xf32> to vector<4096x512xf32>
    %sub3A_19 = arith.subf %dot_general3A_7, %sub3A_18 : vector<4096x512xf32>
    %mul3A_20 = arith.constant 3.000000e+01 : f32
    %mul3A_21 = vector.broadcast %mul3A_20 : f32 to vector<4096x512xf32>
    %mul3A_22 = arith.mulf %mul3A_21, %sub3A_19 : vector<4096x512xf32>
    %exp3A_23 = math.exp %mul3A_22 : vector<4096x512xf32>
    %reduce_sum3A = arith.constant dense<0.000000e+00> : vector<4096xf32>
    %reduce_sum3A_24 = vector.multi_reduction <add>, %exp3A_23, %reduce_sum3A [1] : vector<4096x512xf32> to vector<4096xf32>
    %broadcast_in_dim3A_25 = vector.shape_cast %reduce_sum3A_24 : vector<4096xf32> to vector<4096x1xf32>
    %add3A = arith.addf %mul3A_17, %broadcast_in_dim3A_25 : vector<4096x1xf32>
    %swap3A = arith.constant 0 : index
    %swap3A_26 = arith.constant 0 : index
    %swap3A_27 = vector.load %arg6[%swap3A, %swap3A_26] : memref<4096x1xf32, #tpu.memory_space<vmem>>, vector<4096x1xf32>
    tpu.vector_store %arg6[%swap3A, %swap3A_26], %add3A {strides = array<i32>} : memref<4096x1xf32, #tpu.memory_space<vmem>>, vector<4096x1xf32>,
    %swap3A_28 = arith.constant 0 : index
    %swap3A_29 = arith.constant 0 : index
    %swap3A_30 = vector.load %arg5[%swap3A_28, %swap3A_29] : memref<4096x1xf32, #tpu.memory_space<vmem>>, vector<4096x1xf32>
    tpu.vector_store %arg5[%swap3A_28, %swap3A_29], %max3A {strides = array<i32>} : memref<4096x1xf32, #tpu.memory_space<vmem>>, vector<4096x1xf32>,
    %eq3A_31 = arith.constant 20 : i32
    %eq3A_32 = arith.cmpi eq, %arg0, %eq3A_31 : i32
    %convert_element_type3A_33 = arith.extui %eq3A_32 : i1 to i32
    %cond3A_34 = arith.constant 0 : i32
    %cond3A_35 = arith.cmpi ne, %convert_element_type3A_33, %cond3A_34 : i32
    scf.if %cond3A_35 {
      %get3A_36 = arith.constant 0 : index
      %get3A_37 = arith.constant 0 : index
      %get3A_38 = vector.load %arg5[%get3A_36, %get3A_37] : memref<4096x1xf32, #tpu.memory_space<vmem>>, vector<4096x1xf32>
      %swap3A_39 = arith.constant 0 : index
      %swap3A_40 = arith.constant 0 : index
      %swap3A_41 = vector.load %arg3[%swap3A_39, %swap3A_40] : memref<4096x1xf32, #tpu.memory_space<vmem>>, vector<4096x1xf32>
      tpu.vector_store %arg3[%swap3A_39, %swap3A_40], %get3A_38 {strides = array<i32>} : memref<4096x1xf32, #tpu.memory_space<vmem>>, vector<4096x1xf32>,
      %get3A_42 = arith.constant 0 : index
      %get3A_43 = arith.constant 0 : index
      %get3A_44 = vector.load %arg6[%get3A_42, %get3A_43] : memref<4096x1xf32, #tpu.memory_space<vmem>>, vector<4096x1xf32>
      %mul3A_45 = arith.constant -3.000000e+01 : f32
      %mul3A_46 = vector.broadcast %mul3A_45 : f32 to vector<4096x1xf32>
      %mul3A_47 = arith.mulf %mul3A_46, %get3A_38 : vector<4096x1xf32>
      %exp3A_48 = math.exp %mul3A_47 : vector<4096x1xf32>
      %mul3A_49 = arith.constant 2.200000e+02 : f32
      %mul3A_50 = vector.broadcast %mul3A_49 : f32 to vector<4096x1xf32>
      %mul3A_51 = arith.mulf %mul3A_50, %exp3A_48 : vector<4096x1xf32>
      %sub3A_52 = arith.subf %get3A_44, %mul3A_51 : vector<4096x1xf32>
      %swap3A_53 = arith.constant 0 : index
      %swap3A_54 = arith.constant 0 : index
      %swap3A_55 = vector.load %arg4[%swap3A_53, %swap3A_54] : memref<4096x1xf32, #tpu.memory_space<vmem>>, vector<4096x1xf32>
      tpu.vector_store %arg4[%swap3A_53, %swap3A_54], %sub3A_52 {strides = array<i32>} : memref<4096x1xf32, #tpu.memory_space<vmem>>, vector<4096x1xf32>,
    } else {
    }
    return
  }
  func.func @transform_0(%arg0: i32) -> (i32, i32) {
    %c0_i32 = arith.constant 0 : i32
    %c0_i32_0 = arith.constant 0 : i32
    %c0_i32_1 = arith.constant 0 : i32
    return %c0_i32, %c0_i32_0 : i32, i32
  }
  func.func @transform_1(%arg0: i32) -> (i32, i32) {
    %c0_i32 = arith.constant 0 : i32
    %c0_i32_0 = arith.constant 0 : i32
    return %arg0, %c0_i32 : i32, i32
  }
  func.func @transform_2(%arg0: i32) -> (i32, i32) {
    %c0_i32 = arith.constant 0 : i32
    %c0_i32_0 = arith.constant 0 : i32
    %c0_i32_1 = arith.constant 0 : i32
    return %c0_i32, %c0_i32_0 : i32, i32
  }
  func.func @transform_3(%arg0: i32) -> (i32, i32) {
    %c0_i32 = arith.constant 0 : i32
    %c0_i32_0 = arith.constant 0 : i32
    %c0_i32_1 = arith.constant 0 : i32
    return %c0_i32, %c0_i32_0 : i32, i32
  }
}

module attributes {stable_mosaic.version = 14 : i64} {
  func.func @_combine_body(%arg0: memref<4096x256xf32, #tpu.memory_space<vmem>>, %arg1: memref<4096x256xf32, #tpu.memory_space<vmem>>, %arg2: memref<4096x1xf32, #tpu.memory_space<vmem>>, %arg3: memref<4096x1xf32, #tpu.memory_space<vmem>>, %arg4: memref<4096x1xf32, #tpu.memory_space<vmem>>, %arg5: memref<1x1xf32, #tpu.memory_space<vmem>>) attributes {dimension_semantics = [], scalar_prefetch = 0 : i64, scratch_operands = 0 : i64, tpu.core_type = #tpu.core_type<tc>} {
    %get3A = arith.constant 0 : index
    %get3A_0 = arith.constant 0 : index
    %get3A_1 = vector.load %arg0[%get3A, %get3A_0] : memref<4096x256xf32, #tpu.memory_space<vmem>>, vector<4096x256xf32>
    %get3A_2 = arith.constant 0 : index
    %get3A_3 = arith.constant 0 : index
    %get3A_4 = vector.load %arg1[%get3A_2, %get3A_3] : memref<4096x256xf32, #tpu.memory_space<vmem>>, vector<4096x256xf32>
    %mul3A = arith.mulf %get3A_1, %get3A_4 : vector<4096x256xf32>
    %reduce_sum3A = arith.constant dense<0.000000e+00> : vector<4096xf32>
    %reduce_sum3A_5 = vector.multi_reduction <add>, %mul3A, %reduce_sum3A [1] : vector<4096x256xf32> to vector<4096xf32>
    %broadcast_in_dim3A = vector.shape_cast %reduce_sum3A_5 : vector<4096xf32> to vector<4096x1xf32>
    %get3A_6 = arith.constant 0 : index
    %get3A_7 = arith.constant 0 : index
    %get3A_8 = vector.load %arg4[%get3A_6, %get3A_7] : memref<4096x1xf32, #tpu.memory_space<vmem>>, vector<4096x1xf32>
    %ge3A = arith.constant 0.000000e+00 : f32
    %ge3A_9 = vector.broadcast %ge3A : f32 to vector<4096x1xf32>
    %ge3A_10 = arith.cmpf oge, %get3A_8, %ge3A_9 : vector<4096x1xf32>
    %get3A_11 = arith.constant 0 : index
    %get3A_12 = arith.constant 0 : index
    %get3A_13 = vector.load %arg2[%get3A_11, %get3A_12] : memref<4096x1xf32, #tpu.memory_space<vmem>>, vector<4096x1xf32>
    %sub3A = arith.subf %get3A_13, %broadcast_in_dim3A : vector<4096x1xf32>
    %mul3A_14 = arith.constant 3.000000e+01 : f32
    %mul3A_15 = vector.broadcast %mul3A_14 : f32 to vector<4096x1xf32>
    %mul3A_16 = arith.mulf %mul3A_15, %sub3A : vector<4096x1xf32>
    %get3A_17 = arith.constant 0 : index
    %get3A_18 = arith.constant 0 : index
    %get3A_19 = vector.load %arg3[%get3A_17, %get3A_18] : memref<4096x1xf32, #tpu.memory_space<vmem>>, vector<4096x1xf32>
    %log3A = math.log %get3A_19 : vector<4096x1xf32>
    %add3A = arith.addf %mul3A_16, %log3A : vector<4096x1xf32>
    %jit3A = arith.constant 0.000000e+00 : f32
    %broadcast_in_dim3A_20 = vector.broadcast %jit3A : f32 to vector<4096x1xf32>
    %select_n3A = arith.select %ge3A_10, %add3A, %broadcast_in_dim3A_20 : vector<4096x1xi1>, vector<4096x1xf32>
    %reduce_sum3A_21 = vector.shape_cast %select_n3A : vector<4096x1xf32> to vector<1x4096x1xf32>
    %reduce_sum3A_22 = arith.constant dense<0.000000e+00> : vector<1xf32>
    %reduce_sum3A_23 = vector.multi_reduction <add>, %reduce_sum3A_21, %reduce_sum3A_22 [1, 2] : vector<1x4096x1xf32> to vector<1xf32>
    %reduce_sum3A_24 = vector.shape_cast %reduce_sum3A_23 : vector<1xf32> to vector<1x1x1xf32>
    %reduce_sum3A_25 = vector.extract %reduce_sum3A_24[0, 0, 0] : f32 from vector<1x1x1xf32>
    %broadcast_in_dim3A_26 = vector.broadcast %reduce_sum3A_25 : f32 to vector<1x1xf32>
    %convert_element_type3A = arith.extui %ge3A_10 : vector<4096x1xi1> to vector<4096x1xi32>
    %convert_element_type3A_27 = arith.sitofp %convert_element_type3A : vector<4096x1xi32> to vector<4096x1xf32>
    %reduce_sum3A_28 = vector.shape_cast %convert_element_type3A_27 : vector<4096x1xf32> to vector<1x4096x1xf32>
    %reduce_sum3A_29 = arith.constant dense<0.000000e+00> : vector<1xf32>
    %reduce_sum3A_30 = vector.multi_reduction <add>, %reduce_sum3A_28, %reduce_sum3A_29 [1, 2] : vector<1x4096x1xf32> to vector<1xf32>
    %reduce_sum3A_31 = vector.shape_cast %reduce_sum3A_30 : vector<1xf32> to vector<1x1x1xf32>
    %reduce_sum3A_32 = vector.extract %reduce_sum3A_31[0, 0, 0] : f32 from vector<1x1x1xf32>
    %broadcast_in_dim3A_33 = vector.broadcast %reduce_sum3A_32 : f32 to vector<1x1xf32>
    %max3A = arith.constant 1.000000e+00 : f32
    %max3A_34 = vector.broadcast %max3A : f32 to vector<1x1xf32>
    %max3A_35 = arith.maximumf %broadcast_in_dim3A_33, %max3A_34 : vector<1x1xf32>
    %div3A = arith.divf %broadcast_in_dim3A_26, %max3A_35 : vector<1x1xf32>
    %swap3A = arith.constant 0 : index
    %swap3A_36 = arith.constant 0 : index
    %swap3A_37 = vector.load %arg5[%swap3A, %swap3A_36] : memref<1x1xf32, #tpu.memory_space<vmem>>, vector<1x1xf32>
    tpu.vector_store %arg5[%swap3A, %swap3A_36], %div3A {strides = array<i32>} : memref<1x1xf32, #tpu.memory_space<vmem>>, vector<1x1xf32>,
    return
  }
}

</mosaic_0001>

<sc_bundles>
// kernel: _oim_loss.5.cloned.1.call-start
scs
__scs_entry_jumppad:
0x0: {  	(pc) =	sbr.rel $0x88, $3  }
0x1: {  	(tag) =	ssettag $0x0;
	lr =	simm.s32 $0x1  }
0x2: {  	[smem:$0x3F9C] =	sst lr;
	_ =	strace $0xD0000000  }
0x3: {  	_ = 	snop  }
0x4: {  	_ = 	snop  }
0x5: {  	_ = 	snop  }
0x6: {  	_ = 	snop  }
0x7: {  	_ = 	snop  }
__scs_overlays_trampoline_lowered:
0x8: {  	[smem:$0x3FAB] =	sst s0  }
0x9: {  	[smem:$0x3FAC] =	sst s1  }
0xa: {  	[smem:$0x3FAD] =	sst s2  }
0xb: {  	[smem:$0x3FAE] =	sst s3  }
0xc: {  	[smem:$0x3FAF] =	sst s4  }
0xd: {  	[smem:$0x3FB0] =	sst s5  }
0xe: {  	[smem:$0x3FB1] =	sst s6  }
0xf: {  	[smem:$0x3FB2] =	sst s7  }
0x10: {  	[smem:$0x3FB3] =	sst s8  }
0x11: {  	[smem:$0x3FB4] =	sst s9;
	s0 =	simm.s32 @!p0 $0x0  }
0x12: {  	s1 =	sld [smem:$0x3F9A];
	s0 =	simm.s32 @p0 $0x1  }
0x13: {  	[smem:$0x3FB5] =	sst s0;
	s0 =	simm.s32 @!p1 $0x0  }
0x14: {  	s2 =	sld [smem:$0x3F99];
	s0 =	simm.s32 @p1 $0x1  }
0x15: {  	[smem:$0x3FB6] =	sst s0;
	s0 =	simm.s32 @!p2 $0x0  }
0x16: {  	s3 =	sld [smem:$0x3FDB];
	s0 =	simm.s32 @p2 $0x1  }
0x17: {  	s4 =	simm.s32 $0x1BF5;
	[smem:$0x3FB8] =	sst s0  }
0x18: {  	s0 =	sld [smem:$0x3F9B];
	_ =	swait.ge [sflag:s4], $0x0  }
0x19: {  	s7 =	sld [smem:$0x3F9C]  }
0x1a: {  	s8 =	sadd.s32 $0xFFFFE003, lr  }
0x1b: {  	s9 =	sadd.s32 $0xFFFFFEF7, lr;
	s5 =	simm.s32 $0xFFFFFFFF;
	p2 =	slt.u32 s8, $0xFFFFF086  }
0x1c: {  	p1 =	slt.u32 s9, $0xF7A;
	s5 =	simm.s32 @!p2 $0x0  }
0x1d: {  	s5 =	simm.s32 @p1 $0x1;
	p0 =	seq.s32 s7, s2  }
0x1e: {  	s7 =	smul.u32 @!p0 $0xF7A, s2;
	p2 =	seq.s32 @!p0 s5, $0x0  }
0x1f: {  	s9 =	smul.u32 $0xF7A, s1;
	s8 =	simm.s32 @!p0 $0x1BF5;
	p2 =	por !p2, p0  }
0x20: {  	[sflag:s8] =	ssyncset.s32 @!p0 $0xFFFFF086;
	s6 =	sadd.s32 @!p0 s3, s7;
	s7 =	simm.s32 @!p0 $0x108  }
0x21: {  	s3 =	sadd.s32 s3, s9;
	s6 =	sadd.s32 @!p0 $0x88, s6;
	s7 =	simm.s32 @p2 $0x1082  }
0x22: {  	[simem:s7], [sflag:s8] =	dma.local @!p0 [hbm:s6], $0xF7A  }
0x23: {  	s9 =	sor.u32 $0xD0000000, s2;
	s6 =	simm.s32 $0x108;
	_ =	swait.ge @!p0 [sflag:s8], $0x0  }
0x24: {  	s3 =	sadd.s32 $0x88, s3;
	s6 =	simm.s32 @!p1 $0x1082;
	[sflag:s4] =	ssyncset.s32 $0xFFFFF086  }
0x25: {  	[simem:s6], [sflag:s4] =	dma.local [hbm:s3], $0xF7A  }
0x26: {  	[smem:$0x3F9C] =	sst s1;
	(tag) =	ssettag s2;
	_ =	strace s9  }
0x27: {  	s1 =	sld [smem:$0x3FAC]  }
0x28: {  	s2 =	sld [smem:$0x3FAD]  }
0x29: {  	s4 =	sld [smem:$0x3FAF]  }
0x2a: {  	p0 =	seq.s32 s5, $0x0;
	s5 =	sld [smem:$0x3FB0]  }
0x2b: {  	s6 =	sld [smem:$0x3FB1]  }
0x2c: {  	s7 =	sld [smem:$0x3FB2]  }
0x2d: {  	s3 =	simm.s32 $0x108;
	s8 =	sld [smem:$0x3FB3]  }
0x2e: {  	s3 =	simm.s32 @!p0 $0x1082;
	s9 =	sld [smem:$0x3FB4]  }
0x2f: {  	lr =	sadd.s32 s0, s3;
	s0 =	sld [smem:$0x3FAB]  }
0x30: {  	s3 =	sld [smem:$0x3FAE]  }
0x31: {  	[smem:$0x3FB7] =	sst s10  }
0x32: {  	s10 =	sld [smem:$0x3FB5];
	_ =	sdelay $0x3  }
0x33: {  	p0 =	seq.s32 s10, $0x1;
	s10 =	sld [smem:$0x3FB7];
	_ =	sdelay $0x3  }
0x34: {  	[smem:$0x3FB7] =	sst s10  }
0x35: {  	s10 =	sld [smem:$0x3FB6];
	_ =	sdelay $0x3  }
0x36: {  	p1 =	seq.s32 s10, $0x1;
	s10 =	sld [smem:$0x3FB7];
	_ =	sdelay $0x3  }
0x37: {  	[smem:$0x3FB7] =	sst s10  }
0x38: {  	s10 =	sld [smem:$0x3FB8]  }
0x39: {  	_ = 	snop;
	(pc) =	sbr.ind lr, $3  }
0x3a: {  	_ = 	snop  }
0x3b: {  	_ = 	snop  }
0x3c: {  	p2 =	seq.s32 s10, $0x1;
	s10 =	sld [smem:$0x3FB7]  }
0x3d: {  	_ =	shalt  }
0x3e: {  	_ =	shalt  }
0x3f: {  	_ =	shalt  }
0x40: {  	_ =	shalt  }
0x41: {  	_ =	shalt  }
0x42: {  	_ =	shalt  }
0x43: {  	_ =	shalt  }
0x44: {  	_ =	shalt  }
0x45: {  	_ =	shalt  }
0x46: {  	_ =	shalt  }
0x47: {  	_ =	shalt  }
0x48: {  	_ =	shalt  }
0x49: {  	_ =	shalt  }
0x4a: {  	_ =	shalt  }
0x4b: {  	_ =	shalt  }
0x4c: {  	_ =	shalt  }
0x4d: {  	_ =	shalt  }
0x4e: {  	_ =	shalt  }
0x4f: {  	_ =	shalt  }
0x50: {  	_ =	shalt  }
0x51: {  	_ =	shalt  }
0x52: {  	_ =	shalt  }
0x53: {  	_ =	shalt  }
0x54: {  	_ =	shalt  }
0x55: {  	_ =	shalt  }
0x56: {  	_ =	shalt  }
0x57: {  	_ =	shalt  }
0x58: {  	_ =	shalt  }
0x59: {  	_ =	shalt  }
0x5a: {  	_ =	shalt  }
0x5b: {  	_ =	shalt  }
0x5c: {  	_ =	shalt  }
0x5d: {  	_ =	shalt  }
0x5e: {  	_ =	shalt  }
0x5f: {  	_ =	shalt  }
0x60: {  	_ =	shalt  }
0x61: {  	_ =	shalt  }
0x62: {  	_ =	shalt  }
0x63: {  	_ =	shalt  }
0x64: {  	_ =	shalt  }
0x65: {  	_ =	shalt  }
0x66: {  	_ =	shalt  }
0x67: {  	_ =	shalt  }
0x68: {  	_ =	shalt  }
0x69: {  	_ =	shalt  }
0x6a: {  	_ =	shalt  }
0x6b: {  	_ =	shalt  }
0x6c: {  	_ =	shalt  }
0x6d: {  	_ =	shalt  }
0x6e: {  	_ =	shalt  }
0x6f: {  	_ =	shalt  }
0x70: {  	_ =	shalt  }
0x71: {  	_ =	shalt  }
0x72: {  	_ =	shalt  }
0x73: {  	_ =	shalt  }
0x74: {  	_ =	shalt  }
0x75: {  	_ =	shalt  }
0x76: {  	_ =	shalt  }
0x77: {  	_ =	shalt  }
0x78: {  	_ =	shalt  }
0x79: {  	_ =	shalt  }
0x7a: {  	_ =	shalt  }
0x7b: {  	_ =	shalt  }
0x7c: {  	_ =	shalt  }
0x7d: {  	_ =	shalt  }
0x7e: {  	_ =	shalt  }
0x7f: {  	_ =	shalt  }
0x80: {  	_ =	shalt  }
0x81: {  	_ =	shalt  }
0x82: {  	_ =	shalt  }
0x83: {  	_ =	shalt  }
0x84: {  	_ =	shalt  }
0x85: {  	_ =	shalt  }
0x86: {  	_ =	shalt  }
0x87: {  	_ =	shalt  }
.Lfunc_end0:
.L_simem_size_0:
called_computation_lowered:
.L_overlay_start_0:
0x88: {  	s2 =	sld [smem:$0x3FD9]  }
0x89: {  	s3 =	sld [smem:$0x3FFE];
	_ =	sdelay $0x1  }
0x8a: {  	s1 =	srdreg.scid  }
0x8b: {  	s0 =	sand.u32 $0x1, s1  }
0x8c: {  	s17 =	sshll.u32 s0, $0xA;
	s2 =	sadd.s32 s3, s2  }
0x8d: {  	s2 =	sadd.s32 s2, s17  }
0x8e: {  	[smem:$0x3FC3] =	sst s2  }
0x8f: {  	_ = 	snop  }
0x90: {  	s2 =	sld [smem:$0x3FC7]  }
0x91: {  	s18 =	sld [smem:$0x3FC6];
	(tm) =	ssettm $0x1  }
0x92: {  	s4 =	sld [smem:$0x3FFB];
	_ =	sdelay $0x3  }
0x93: {  	_ =	strace s4  }
0x94: {  	s4 =	sld [smem:$0x3FFC];
	_ =	sdelay $0x3  }
0x95: {  	_ =	strace s4  }
0x96: {  	s4 =	sld [smem:$0x3FFD];
	_ =	sdelay $0x3  }
0x97: {  	_ =	strace s4  }
0x98: {  	_ =	strace $0x8FFFFFFF  }
0x99: {  	s19 =	sld [smem:$0x3FDB];
	_ =	sdelay $0x1  }
0x9a: {  	s5 =	simm.s32 $_scs_section_size  }
0x9b: {  	s6 =	simm.s32 $_size__tile_overlayer_lowered;
	s7 =	simm.s32 $_tile_overlayer_lowered  }
0x9c: {  	s22 =	simm.s32 $0x1BFF;
	s21 =	sshll.u32 s7, $0x1;
	s4 =	sadd.s32 s5, s19  }
0x9d: {  	s8 =	simm.s32 $0x0;
	s20 =	sshll.u32 s6, $0x1;
	s6 =	sadd.s32 s21, s4  }
0x9e: {  	[timem:s8], [sflag:s22] =	dma.local [hbm:s6], s20  }
0x9f: {  	_ =	swait.ge [sflag:s22], s20  }
0xa0: {  	s5 =	ssub.s32 $0x0, s20;
	[sflag:s22] =	ssyncset.done $0x0  }
0xa1: {  	[sflag:s22] =	ssyncadd.s32 s5;
	_ =	sdelay $0x1  }
0xa2: {  	s23 =	simm.s32 $0x1B8B  }
0xa3: {  	_ =	swait.ge [sflag:s23], $0x1  }
0xa4: {  	[sflag:s23] =	ssyncset.done $0x0  }
0xa5: {  	s25 =	simm.s32 $0x1B8E;
	s24 =	sld [smem:$0x3FFE];
	[sflag:s23] =	ssyncadd.s32 $0xFFFFFFFF  }
0xa6: {  	s26 =	simm.s32 $execute0_lowered;
	[smem:$0x3FD2] =	sst s25  }
0xa7: {  	s6 =	sshll.u32 s26, $0x1;
	_ =	strace $0x80000046;
	[dreg:$0x1] =	wrdreg $0xFFFFFFFF  }
0xa8: {  	s28 =	simm.s32 $_size_execute0_lowered;
	s4 =	sadd.s32 s4, s6;
	[dreg:$0x0] =	wrdreg $0x0  }
0xa9: {  	s6 =	sshll.u32 s28, $0x1;
	[dreg:$0x2] =	wrdreg s4  }
0xaa: {  	[dreg:$0x3] =	wrdreg s6  }
0xab: {  	[dreg:$0x4] =	wrdreg $0xC0  }
0xac: {  	_ =	task [dreg:s8], $0x5FFFF  }
0xad: {  	[dreg:$0x1] =	wrdreg $0xFFFFFFFF  }
0xae: {  	[dreg:$0x0] =	wrdreg $0x60  }
0xaf: {  	[dreg:$0x2] =	wrdreg s18  }
0xb0: {  	[dreg:$0x3] =	wrdreg s2  }
0xb1: {  	[dreg:$0x4] =	wrdreg s24  }
0xb2: {  	[dreg:$0x5] =	wrdreg $0x9  }
0xb3: {  	_ =	task.clear_ibuf [dreg:s8], $0x6FFFF;
	_ =	strace $0x90000046  }
0xb4: {  	s29 =	simm.s32 $0x9;
	_ =	strace $0x80000048  }
0xb5: {  	_ =	swait.ge [sflag:s29], $0x1  }
0xb6: {  	[sflag:s29] =	ssyncadd.s32 $0xFFFFFFFF  }
0xb7: {  	_ =	strace $0x90000048  }
0xb8: {  	_ =	sfence  }
0xb9: {  	s30 =	sld [smem:$0x0];
	_ =	sdelay $0x2  }
0xba: {  	s31 =	sshll.u32 s1, $0xD;
	s1 =	sshrl.u32 s1, $0x2  }
0xbb: {  	s3 =	sand.u32 $0x4000, s31;
	s1 =	sadd.s32 s1, s30  }
0xbc: {  	s0 =	sor.u32 s3, s0;
	s1 =	sshll.u32 s1, $0x11  }
0xbd: {  	s0 =	sor.u32 s1, s0  }
0xbe: {  	s0 =	sadd.s32 $0x8F2B, s0  }
0xbf: {  	[sflag:s0] =	ssyncadd.remote.s32 $0x1  }
0xc0: {  	_ =	sfence.sel $0xFFFF  }
0xc1: {  	[dreg:$0x0] =	wrdreg $0xFFFFFFFF;
	(pc) =	sbr.abs _section_cstart, $3  }
0xc2: {  	[dreg:$0x1] =	wrdreg $0xFFFFFFFF  }
0xc3: {  	_ =	task.clear_ibuf [dreg:s8], $0x2FFFF;
	_ =	strace $0x9FFFFFFF  }
0xc4: {  	(tm) =	ssettm $0x7FFFFFFF  }
0xc5: {  	_ =	shalt  }
tec
execute0_lowered:
.L_overlay_start_1:
0x0: {  	(tag) =	ssettag $0x1  }
0x1: {  	s1 =	rddreg [dreg:$0x0]  }
0x2: {  	s4 =	rddreg [dreg:$0x1]  }
0x3: {  	s5 =	rddreg [dreg:$0x2];
	s3 =	srdreg.scid  }
0x4: {  	s0 =	rddreg [dreg:$0x3];
	s2 =	stileid.u32;
	s10 =	simm.s32 $0x1080  }
0x5: {  	s11 =	simm.s32 $0x1880;
	s12 =	simm.s32 $0x2080;
	s13 =	simm.s32 $0x2880  }
0x6: {  	s14 =	simm.s32 $0x3080;
	s15 =	simm.s32 $0x3880;
	s16 =	simm.s32 $0x4080  }
0x7: {  	s17 =	simm.s32 $0x4880;
	s18 =	simm.s32 $0x5080;
	s19 =	simm.s32 $0x5880  }
0x8: {  	s20 =	simm.s32 $0x6080;
	s21 =	simm.s32 $0x6880;
	s22 =	simm.s32 $0x7080  }
0x9: {  	s23 =	simm.s32 $0x7880;
	s24 =	simm.s32 $0x1;
	s6 =	sand.u32 $0x1, s3  }
0xa: {  	s3 =	simm.s32 $0x0;
	s7 =	sshll.u32 s2, $0x8;
	s8 =	sshll.u32 s6, $0x7  }
0xb: {  	[smem:$0x7FF] =	sst s3;
	s6 =	ssub.s32 $0x2, s6;
	s7 =	sor.u32 s8, s7  }
0xc: {  	_ =	strace $0x80000047;
	s9 =	sshrl.u32 s6, $0x1;
	s8 =	sshll.u32 s7, $0x5  }
0xd: {  	v2 =	vlaneseq.u32;
	s6 =	ssub.s32 s6, s9;
	s7 =	sshrl.u32 s7, $0x3;
	s9 =	simm.s32 $0x880  }
0xe: {  	vm0 =	vmmov $0xffff;
	v1 =	vshrl.u32 v2, $0x3;
	s5 =	sadd.s32 s8, s5;
	s4 =	sadd.s32 s4, s7;
	s6 =	smax.u32 s6, $0x1  }
0xf: {  	v0 =	vand.u32 $0x7, v2;
	v2 =	vor.u32 $0x8, v2;
	v1 =	vmul.u32 $0x8, v1;
	s7 =	simm.s32 $0x2;
	s8 =	simm.s32 $0x80;
	s5 =	sadd.s32 $0x1000, s5  }
.LBB2_1:
0x10: {  	[tilespmem:s3], [sflag:$0x2] =	stream.linear.gather [hbm4b:s4+s3], $0x80, $0x38;
	[tilespmem:$0x8080] =	vst v63  }
0x11: {  	_ =	swait.ge [sflag:s7], $0x80  }
0x12: {  	[sflag:s7] =	ssyncset.done $0x0  }
0x13: {  	[sflag:s7] =	ssyncadd.s32 $0xFFFFFF80  }
0x14: {  	v3 =	vld [tilespmem:$0x0];
	_ =	sdelay $0x4  }
0x15: {  	v4 =	vshll.u32 v3, $0x1  }
0x16: {  	v3 =	vand.u32 $0x7, v3;
	v4 =	vand.u32 $0xFFFFFFF0, v4  }
0x17: {  	v3 =	vor.u32 v3, v4  }
0x18: {  	v4 =	vperm.xlane v3, v0;
	_ =	sdelay $0x1  }
0x19: {  	v3 =	vperm.xlane v3, v2;
	v4 =	vadd.s32 v1, v4;
	_ =	sdelay $0x1  }
0x1a: {  	v3 =	vadd.s32 v1, v3;
	_ =	sdelay $0x2  }
0x1b: {  	[tilespmem:s8], [sflag:$0x1] =	stream.indirect_vreg.gather [hbm4b:s1+s3], $0x80, v4, vm0, $0xb8;
	[tilespmem:$0x8080] =	vst v63  }
0x1c: {  	_ = 	snop  }
0x1d: {  	[tilespmem:s9], [sflag:$0x1] =	stream.indirect_vreg.gather [hbm4b:s1+s3], $0x80, v3, vm0, $0xb8;
	[tilespmem:$0x8080] =	vst v63  }
0x1e: {  	v3 =	vld [tilespmem:$0x10];
	_ =	sdelay $0x4  }
0x1f: {  	v57 =	vshll.u32 v3, $0x1  }
0x20: {  	v3 =	vand.u32 $0x7, v3;
	v4 =	vand.u32 $0xFFFFFFF0, v57  }
0x21: {  	v3 =	vor.u32 v3, v4  }
0x22: {  	v4 =	vperm.xlane v3, v0;
	_ =	sdelay $0x1  }
0x23: {  	v3 =	vperm.xlane v3, v2;
	v4 =	vadd.s32 v1, v4;
	_ =	sdelay $0x1  }
0x24: {  	v3 =	vadd.s32 v1, v3;
	_ =	sdelay $0x2  }
0x25: {  	[tilespmem:s10], [sflag:$0x1] =	stream.indirect_vreg.gather [hbm4b:s1+s3], $0x80, v4, vm0, $0xb8;
	[tilespmem:$0x8080] =	vst v63  }
0x26: {  	_ = 	snop  }
0x27: {  	[tilespmem:s11], [sflag:$0x1] =	stream.indirect_vreg.gather [hbm4b:s1+s3], $0x80, v3, vm0, $0xb8;
	[tilespmem:$0x8080] =	vst v63  }
0x28: {  	v3 =	vld [tilespmem:$0x20];
	_ =	sdelay $0x4  }
0x29: {  	v58 =	vshll.u32 v3, $0x1  }
0x2a: {  	v3 =	vand.u32 $0x7, v3;
	v4 =	vand.u32 $0xFFFFFFF0, v58  }
0x2b: {  	v3 =	vor.u32 v3, v4  }
0x2c: {  	v4 =	vperm.xlane v3, v0;
	_ =	sdelay $0x1  }
0x2d: {  	v3 =	vperm.xlane v3, v2;
	v4 =	vadd.s32 v1, v4;
	_ =	sdelay $0x1  }
0x2e: {  	v3 =	vadd.s32 v1, v3;
	_ =	sdelay $0x2  }
0x2f: {  	[tilespmem:s12], [sflag:$0x1] =	stream.indirect_vreg.gather [hbm4b:s1+s3], $0x80, v4, vm0, $0xb8;
	[tilespmem:$0x8080] =	vst v63  }
0x30: {  	_ = 	snop  }
0x31: {  	[tilespmem:s13], [sflag:$0x1] =	stream.indirect_vreg.gather [hbm4b:s1+s3], $0x80, v3, vm0, $0xb8;
	[tilespmem:$0x8080] =	vst v63  }
0x32: {  	v3 =	vld [tilespmem:$0x30];
	_ =	sdelay $0x4  }
0x33: {  	v59 =	vshll.u32 v3, $0x1  }
0x34: {  	v3 =	vand.u32 $0x7, v3;
	v4 =	vand.u32 $0xFFFFFFF0, v59  }
0x35: {  	v3 =	vor.u32 v3, v4  }
0x36: {  	v4 =	vperm.xlane v3, v0;
	_ =	sdelay $0x1  }
0x37: {  	v3 =	vperm.xlane v3, v2;
	v4 =	vadd.s32 v1, v4;
	_ =	sdelay $0x1  }
0x38: {  	v3 =	vadd.s32 v1, v3;
	_ =	sdelay $0x2  }
0x39: {  	[tilespmem:s14], [sflag:$0x1] =	stream.indirect_vreg.gather [hbm4b:s1+s3], $0x80, v4, vm0, $0xb8;
	[tilespmem:$0x8080] =	vst v63  }
0x3a: {  	_ = 	snop  }
0x3b: {  	[tilespmem:s15], [sflag:$0x1] =	stream.indirect_vreg.gather [hbm4b:s1+s3], $0x80, v3, vm0, $0xb8;
	[tilespmem:$0x8080] =	vst v63  }
0x3c: {  	v3 =	vld [tilespmem:$0x40];
	_ =	sdelay $0x4  }
0x3d: {  	v60 =	vshll.u32 v3, $0x1  }
0x3e: {  	v3 =	vand.u32 $0x7, v3;
	v4 =	vand.u32 $0xFFFFFFF0, v60  }
0x3f: {  	v3 =	vor.u32 v3, v4  }
0x40: {  	v4 =	vperm.xlane v3, v0;
	_ =	sdelay $0x1  }
0x41: {  	v3 =	vperm.xlane v3, v2;
	v4 =	vadd.s32 v1, v4;
	_ =	sdelay $0x1  }
0x42: {  	v3 =	vadd.s32 v1, v3;
	_ =	sdelay $0x2  }
0x43: {  	[tilespmem:s16], [sflag:$0x1] =	stream.indirect_vreg.gather [hbm4b:s1+s3], $0x80, v4, vm0, $0xb8;
	[tilespmem:$0x8080] =	vst v63  }
0x44: {  	_ = 	snop  }
0x45: {  	[tilespmem:s17], [sflag:$0x1] =	stream.indirect_vreg.gather [hbm4b:s1+s3], $0x80, v3, vm0, $0xb8;
	[tilespmem:$0x8080] =	vst v63  }
0x46: {  	v3 =	vld [tilespmem:$0x50];
	_ =	sdelay $0x4  }
0x47: {  	v61 =	vshll.u32 v3, $0x1  }
0x48: {  	v3 =	vand.u32 $0x7, v3;
	v4 =	vand.u32 $0xFFFFFFF0, v61  }
0x49: {  	v3 =	vor.u32 v3, v4  }
0x4a: {  	v4 =	vperm.xlane v3, v0;
	_ =	sdelay $0x1  }
0x4b: {  	v3 =	vperm.xlane v3, v2;
	v4 =	vadd.s32 v1, v4;
	_ =	sdelay $0x1  }
0x4c: {  	v3 =	vadd.s32 v1, v3;
	_ =	sdelay $0x2  }
0x4d: {  	[tilespmem:s18], [sflag:$0x1] =	stream.indirect_vreg.gather [hbm4b:s1+s3], $0x80, v4, vm0, $0xb8;
	[tilespmem:$0x8080] =	vst v63  }
0x4e: {  	_ = 	snop  }
0x4f: {  	[tilespmem:s19], [sflag:$0x1] =	stream.indirect_vreg.gather [hbm4b:s1+s3], $0x80, v3, vm0, $0xb8;
	[tilespmem:$0x8080] =	vst v63  }
0x50: {  	v3 =	vld [tilespmem:$0x60];
	_ =	sdelay $0x4  }
0x51: {  	v62 =	vshll.u32 v3, $0x1  }
0x52: {  	v3 =	vand.u32 $0x7, v3;
	v4 =	vand.u32 $0xFFFFFFF0, v62  }
0x53: {  	v3 =	vor.u32 v3, v4  }
0x54: {  	v4 =	vperm.xlane v3, v0;
	_ =	sdelay $0x1  }
0x55: {  	v3 =	vperm.xlane v3, v2;
	v4 =	vadd.s32 v1, v4;
	_ =	sdelay $0x1  }
0x56: {  	v3 =	vadd.s32 v1, v3;
	_ =	sdelay $0x2  }
0x57: {  	[tilespmem:s20], [sflag:$0x1] =	stream.indirect_vreg.gather [hbm4b:s1+s3], $0x80, v4, vm0, $0xb8;
	[tilespmem:$0x8080] =	vst v63  }
0x58: {  	_ = 	snop  }
0x59: {  	[tilespmem:s21], [sflag:$0x1] =	stream.indirect_vreg.gather [hbm4b:s1+s3], $0x80, v3, vm0, $0xb8;
	[tilespmem:$0x8080] =	vst v63  }
0x5a: {  	v3 =	vld [tilespmem:$0x70];
	_ =	sdelay $0x4  }
0x5b: {  	v63 =	vshll.u32 v3, $0x1  }
0x5c: {  	v3 =	vand.u32 $0x7, v3;
	v4 =	vand.u32 $0xFFFFFFF0, v63  }
0x5d: {  	v3 =	vor.u32 v3, v4  }
0x5e: {  	v4 =	vperm.xlane v3, v0;
	_ =	sdelay $0x1  }
0x5f: {  	v3 =	vperm.xlane v3, v2;
	v4 =	vadd.s32 v1, v4;
	_ =	sdelay $0x1  }
0x60: {  	v3 =	vadd.s32 v1, v3;
	_ =	sdelay $0x2  }
0x61: {  	[tilespmem:s22], [sflag:$0x1] =	stream.indirect_vreg.gather [hbm4b:s1+s3], $0x80, v4, vm0, $0xb8;
	[tilespmem:$0x8080] =	vst v63  }
0x62: {  	_ = 	snop  }
0x63: {  	[tilespmem:s23], [sflag:$0x1] =	stream.indirect_vreg.gather [hbm4b:s1+s3], $0x80, v3, vm0, $0xb8;
	[tilespmem:$0x8080] =	vst v63  }
0x64: {  	_ =	swait.ge [sflag:s24], $0x8000  }
0x65: {  	p0 =	sne.s32 s6, $0x1;
	[sflag:s24] =	ssyncset.done $0x0  }
.Ltmp0:
0x66: {  	[sflag:s24] =	ssyncadd.s32 $0xFFFF8000;
	(pc) =	sbr.rel @p0 .LBB2_1-.Ltmp0, $4  }
0x67: {  	[hbm4b:s5+s3] =	stream.linear.scatter [tilespmem:s8], [sflag:$0x2], $0x8000, $0x38;
	[tilespmem:$0x8080] =	vst v63  }
0x68: {  	_ =	swait.ge [sflag:s7], $0x8000  }
0x69: {  	[sflag:s7] =	ssyncset.done $0x0  }
0x6a: {  	s6 =	sadd.s32 $0xFFFFFFFF, s6;
	[sflag:s7] =	ssyncadd.s32 $0xFFFF8000  }
0x6b: {  	_ =	sfence.sel $0x180000  }
0x6c: {  	[bflag:$0x0] =	sbarrier.arrive $0xFFFF  }
0x6d: {  	p0 =	sne.s32 s2, $0x0;
	_ =	strace $0x90000047  }
0x6e: {  	s0 =	sadd.s32 @!p0 $0x100000, s0;
	[bflag:$0x2] =	sbarrier.arrive $0xFFFF  }
0x6f: {  	[sflag:s0] =	ssyncadd.tile.s32 @!p0 $0x1;
	_ =	shalt  }
.Lfunc_end2:
_tile_overlayer_lowered:
.L_overlay_start_2:
0x70: {  	(tag) =	ssettag $0x2  }
0x71: {  	s0 =	rddreg [dreg:$0x0];
	s2 =	stileid.u32  }
0x72: {  	s1 =	rddreg [dreg:$0x1];
	p0 =	sne.s32 s2, $0x0  }
0x73: {  	s3 =	rddreg [dreg:$0x2];
	[bflag:$0x3] =	sbarrier.arrive $0xFFFF;
	s2 =	simm.s32 @!p0 $0x1C02  }
0x74: {  	[timem:s3], [sflag:s2] =	dma.local @!p0 [hbm:s0], s1  }
0x75: {  	s0 =	simm.s32 @!p0 $0x2  }
0x76: {  	_ =	swait.ge @!p0 [sflag:s0], s1  }
0x77: {  	s1 =	ssub.s32 @!p0 $0x0, s1;
	[sflag:s0] =	ssyncset.done @!p0 $0x0  }
0x78: {  	[sflag:s0] =	ssyncadd.s32 @!p0 s1  }
0x79: {  	[bflag:$0x3] =	sbarrier.arrive $0xFFFF  }
0x7a: {  	_ =	shalt  }

</sc_bundles>
